<compile_context>
chip_gen: v7x
topology: tpu7x:2x2x1
jax: 0.10.2.dev20260603
libtpu: 0.0.44.dev20260713+nightly
codegen_flags: <defaults>
</compile_context>

<pallas_src>
import functools

import jax
import jax.numpy as jnp
from jax import lax
from jax.experimental import pallas as pl
from jax.experimental.pallas import tpu as pltpu
from jax.experimental.pallas import tpu_sc as plsc

_NC = 1
_NS = 16
_NW = _NC * _NS


def _gather_body(b_per_w, b, table, labels, samples, out, idx_v, rows_v, sem):
    wid = lax.axis_index("s") * _NC + lax.axis_index("c")
    base = wid * b_per_w

    @pl.when(base < b)
    def _():
        pltpu.sync_copy(labels.at[pl.ds(base, b_per_w)], idx_v)

    @pl.when(base >= b)
    def _():
        pltpu.sync_copy(samples.at[pl.ds(base - b, b_per_w)], idx_v)

    pltpu.async_copy(table.at[idx_v], rows_v, sem).wait()
    pltpu.sync_copy(rows_v, out.at[pl.ds(base, b_per_w)])


def _sc_gather(table, labels, samples):
    b, s, d = labels.shape[0], samples.shape[0], table.shape[1]
    b_per_w = (b + s) // _NW
    mesh = plsc.VectorSubcoreMesh(core_axis_name="c", subcore_axis_name="s",
                                  num_cores=_NC)
    return pl.kernel(
        functools.partial(_gather_body, b_per_w, b),
        out_type=jax.ShapeDtypeStruct((b + s, d), table.dtype),
        mesh=mesh,
        scratch_types=[
            pltpu.VMEM((b_per_w,), jnp.int32),
            pltpu.VMEM((b_per_w, d), table.dtype),
            pltpu.SemaphoreType.DMA,
        ],
    )(table, labels, samples)


def _rowsum(m):
    ones = jnp.ones((m.shape[1], 1), jnp.float32)
    return lax.dot_general(m, ones, (((1,), (0,)), ((), ())),
                           preferred_element_type=jnp.float32)


_LOG2E = 1.4426950408889634


def _dense_body(b, x_ref, rows_ref, out_ref):
    x = x_ref[...]
    tw = rows_ref[:b, :]
    sw = rows_ref[b:, :]
    xs = x * _LOG2E
    sws = sw * _LOG2E
    x2 = _rowsum(xs * xs)
    sw2 = _rowsum(sws * sws)
    g2 = lax.dot_general(xs, sws * -2.0, (((1,), (1,)), ((), ())),
                         preferred_element_type=jnp.float32)
    m = jnp.maximum((x2 + g2) + jnp.transpose(sw2), 0.0)
    dist = m * lax.rsqrt(m + 1e-30)
    s = _rowsum(jnp.exp2(dist))
    diff = x - tw
    td2 = _rowsum(diff * diff)
    out_ref[...] = lax.squeeze(jnp.sqrt(td2) - jnp.log(s), (1,))


def _dense(inputs, rows):
    b = inputs.shape[0]
    return pl.pallas_call(
        functools.partial(_dense_body, b),
        out_shape=jax.ShapeDtypeStruct((b,), jnp.float32),
    )(inputs, rows)


def kernel(inputs, labels, sample_ids, weight):
    rows = _sc_gather(weight, labels.astype(jnp.int32),
                      sample_ids.astype(jnp.int32))
    return _dense(inputs, rows)

# --- scband reference (transcript-rebuilt; emitter-appended) ---
"""Pipeline reference for scband-sampled-softmax-16527034155526 (READ-ONLY COPY).

The authoritative reference and input builder live on the scoring server;
editing this copy changes nothing except your own understanding.
"""

import jax, jax.numpy as jnp
import numpy as np

NTOKENS = 100000
NHID = 128
NSAMPLED = 1024
BATCH = 1024


def setup_inputs(seed: int = 0) -> dict:
    key = jax.random.key(seed)
    k1, k2, k3, k4 = jax.random.split(key, 4)
    inputs = jax.random.normal(k1, (BATCH, NHID), dtype=jnp.float32)
    labels = jax.random.randint(k2, (BATCH,), 0, NTOKENS)
    # sampler output: LogUniformSampler is external; we model sample_ids as a
    # fixed set of NSAMPLED candidate token ids (true_freq/sample_freq are unused
    # by the sampled() math, so they are omitted).
    sample_ids = jax.random.randint(k3, (NSAMPLED,), 0, NTOKENS)
    stdv = float(np.sqrt(6.0 / (NTOKENS + NHID)))
    weight = jax.random.uniform(k4, (NTOKENS, NHID), minval=-stdv, maxval=stdv, dtype=jnp.float32)
    return {"inputs": inputs, "labels": labels, "sample_ids": sample_ids, "weight": weight}


def reference(inputs, labels, sample_ids, weight):
    # gather true and sampled class weight rows
    true_weights = jnp.take(weight, labels, axis=0)        # [B, d]
    sample_weights = jnp.take(weight, sample_ids, axis=0)  # [S, d]
    # true logits: exp(||inputs - true_weights||)
    true_logits = jnp.exp(jnp.linalg.norm(inputs - true_weights, axis=1))  # [B]
    # sampled logits: sum_j exp(||inputs_i - sample_weights_j||)
    diff = inputs[:, None, :] - sample_weights[None, :, :]  # [B, S, d]
    sample_logits = jnp.sum(jnp.exp(jnp.linalg.norm(diff, axis=-1)), axis=1)  # [B]
    logits = jnp.log(true_logits / sample_logits)
    return logits

if __name__ == "__main__":
    import jax
    _d = setup_inputs()
    print(jax.jit(kernel)(*tuple(_d.values())))

</pallas_src>

<mosaic_0001>
#map = affine_map<(d0, d1) -> (0, 0)>
#map1 = affine_map<(d0, d1) -> (0)>
module attributes {stable_mosaic.version = 14 : i64} {
  func.func @_gather_body(%arg0: i32, %arg1: i32, %arg2: memref<100000x128xf32, #tpu.memory_space<hbm>>, %arg3: memref<1024xi32, #tpu.memory_space<hbm>>, %arg4: memref<1024xi32, #tpu.memory_space<hbm>>, %arg5: memref<2048x128xf32, #tpu.memory_space<hbm>>, %arg6: memref<128xi32, #tpu.memory_space<vmem>>, %arg7: memref<128x128xf32, #tpu.memory_space<vmem>>, %arg8: memref<!tpu.dma_semaphore, #tpu.memory_space<semaphore_mem>>) attributes {dimension_semantics = [#tpu.dimension_semantics<core_parallel>, #tpu.dimension_semantics<subcore_parallel>], iteration_bounds = array<i64: 1, 16>, scalar_prefetch = 0 : i64, scratch_operands = 3 : i64, tpu.core_type = #tpu.core_type<sc_vector_subcore>, window_params = [{transform_indices = #map}, {transform_indices = #map1}, {transform_indices = #map1}, {transform_indices = #map}]} {
    %mul3A = arith.constant 1 : i32
    %mul3A_0 = arith.muli %arg1, %mul3A : i32
    %add3A = arith.addi %mul3A_0, %arg0 : i32
    %mul3A_1 = arith.constant 128 : i32
    %mul3A_2 = arith.muli %add3A, %mul3A_1 : i32
    %lt3A = arith.constant 1024 : i32
    %lt3A_3 = arith.cmpi slt, %mul3A_2, %lt3A : i32
    %convert_element_type3A = arith.extui %lt3A_3 : i1 to i32
    %cond3A = arith.constant 0 : i32
    %cond3A_4 = arith.cmpi ne, %convert_element_type3A, %cond3A : i32
    scf.if %cond3A_4 {
      "tpu.region"() ({
        %run_scoped3A = tpu.sem_alloc : memref<!tpu.dma_semaphore, #tpu.memory_space<semaphore_mem>>
        %dma_start3A_13 = tpu.memref_slice %arg3[%mul3A_2] : memref<1024xi32, #tpu.memory_space<hbm>> -> memref<128xi32, #tpu.memory_space<hbm>>
        %dma_start3A_14 = tpu.memref_slice %arg3[%mul3A_2] : memref<1024xi32, #tpu.memory_space<hbm>> -> memref<128xi32, #tpu.memory_space<hbm>>
        tpu.enqueue_dma source(%dma_start3A_14 : memref<128xi32, #tpu.memory_space<hbm>>) target(%arg6 : memref<128xi32, #tpu.memory_space<vmem>>) target_semaphore(%run_scoped3A : memref<!tpu.dma_semaphore, #tpu.memory_space<semaphore_mem>>)
        %dma_wait3A_15 = tpu.memref_slice %arg3[%mul3A_2] : memref<1024xi32, #tpu.memory_space<hbm>> -> memref<128xi32, #tpu.memory_space<hbm>>
        %dma_wait3A_16 = tpu.memref_slice %arg3[%mul3A_2] : memref<1024xi32, #tpu.memory_space<hbm>> -> memref<128xi32, #tpu.memory_space<hbm>>
        tpu.wait_dma2 semaphore(%run_scoped3A : memref<!tpu.dma_semaphore, #tpu.memory_space<semaphore_mem>>) src(%dma_wait3A_16 : memref<128xi32, #tpu.memory_space<hbm>>) dst(%arg6 : memref<128xi32, #tpu.memory_space<vmem>>)
        tpu.yield
      }) : () -> ()
    } else {
    }
    %ge3A = arith.constant 1024 : i32
    %ge3A_5 = arith.cmpi sge, %mul3A_2, %ge3A : i32
    %convert_element_type3A_6 = arith.extui %ge3A_5 : i1 to i32
    %cond3A_7 = arith.constant 0 : i32
    %cond3A_8 = arith.cmpi ne, %convert_element_type3A_6, %cond3A_7 : i32
    scf.if %cond3A_8 {
      %sub3A = arith.constant 1024 : i32
      %sub3A_13 = arith.subi %mul3A_2, %sub3A : i32
      "tpu.region"() ({
        %run_scoped3A = tpu.sem_alloc : memref<!tpu.dma_semaphore, #tpu.memory_space<semaphore_mem>>
        %dma_start3A_14 = tpu.memref_slice %arg4[%sub3A_13] : memref<1024xi32, #tpu.memory_space<hbm>> -> memref<128xi32, #tpu.memory_space<hbm>>
        %dma_start3A_15 = tpu.memref_slice %arg4[%sub3A_13] : memref<1024xi32, #tpu.memory_space<hbm>> -> memref<128xi32, #tpu.memory_space<hbm>>
        tpu.enqueue_dma source(%dma_start3A_15 : memref<128xi32, #tpu.memory_space<hbm>>) target(%arg6 : memref<128xi32, #tpu.memory_space<vmem>>) target_semaphore(%run_scoped3A : memref<!tpu.dma_semaphore, #tpu.memory_space<semaphore_mem>>)
        %dma_wait3A_16 = tpu.memref_slice %arg4[%sub3A_13] : memref<1024xi32, #tpu.memory_space<hbm>> -> memref<128xi32, #tpu.memory_space<hbm>>
        %dma_wait3A_17 = tpu.memref_slice %arg4[%sub3A_13] : memref<1024xi32, #tpu.memory_space<hbm>> -> memref<128xi32, #tpu.memory_space<hbm>>
        tpu.wait_dma2 semaphore(%run_scoped3A : memref<!tpu.dma_semaphore, #tpu.memory_space<semaphore_mem>>) src(%dma_wait3A_17 : memref<128xi32, #tpu.memory_space<hbm>>) dst(%arg6 : memref<128xi32, #tpu.memory_space<vmem>>)
        tpu.yield
      }) : () -> ()
    } else {
    }
    %dma_start3A = arith.constant 0 : i32
    %dma_start3A_9 = arith.constant 0 : i32
    %dma_start3A_10 = tpu.memref_slice %arg2[%dma_start3A, %dma_start3A_9] : memref<100000x128xf32, #tpu.memory_space<hbm>> -> memref<100000x128xf32, #tpu.memory_space<hbm>>
    tpu.enqueue_indirect_dma source(%dma_start3A_10 : memref<100000x128xf32, #tpu.memory_space<hbm>>) target(%arg7 : memref<128x128xf32, #tpu.memory_space<vmem>>) offsets(%arg6 : memref<128xi32, #tpu.memory_space<vmem>>) semaphore(%arg8 : memref<!tpu.dma_semaphore, #tpu.memory_space<semaphore_mem>>)
    %dma_wait3A = arith.constant 0 : i32
    %dma_wait3A_11 = arith.constant 0 : i32
    %dma_wait3A_12 = tpu.memref_slice %arg2[%dma_wait3A, %dma_wait3A_11] : memref<100000x128xf32, #tpu.memory_space<hbm>> -> memref<100000x128xf32, #tpu.memory_space<hbm>>
    tpu.wait_indirect_dma semaphore(%arg8 : memref<!tpu.dma_semaphore, #tpu.memory_space<semaphore_mem>>) src(%dma_wait3A_12 : memref<100000x128xf32, #tpu.memory_space<hbm>>) dst(%arg7 : memref<128x128xf32, #tpu.memory_space<vmem>>)
    "tpu.region"() ({
      %run_scoped3A = tpu.sem_alloc : memref<!tpu.dma_semaphore, #tpu.memory_space<semaphore_mem>>
      %dma_start3A_13 = arith.constant 0 : i32
      %dma_start3A_14 = tpu.memref_slice %arg5[%mul3A_2, %dma_start3A_13] : memref<2048x128xf32, #tpu.memory_space<hbm>> -> memref<128x128xf32, #tpu.memory_space<hbm>>
      %dma_start3A_15 = arith.constant 0 : i32
      %dma_start3A_16 = tpu.memref_slice %arg5[%mul3A_2, %dma_start3A_15] : memref<2048x128xf32, #tpu.memory_space<hbm>> -> memref<128x128xf32, #tpu.memory_space<hbm>>
      tpu.enqueue_dma source(%arg7 : memref<128x128xf32, #tpu.memory_space<vmem>>) target(%dma_start3A_16 : memref<128x128xf32, #tpu.memory_space<hbm>>) target_semaphore(%run_scoped3A : memref<!tpu.dma_semaphore, #tpu.memory_space<semaphore_mem>>)
      %dma_wait3A_17 = arith.constant 0 : i32
      %dma_wait3A_18 = tpu.memref_slice %arg5[%mul3A_2, %dma_wait3A_17] : memref<2048x128xf32, #tpu.memory_space<hbm>> -> memref<128x128xf32, #tpu.memory_space<hbm>>
      %dma_wait3A_19 = arith.constant 0 : i32
      %dma_wait3A_20 = tpu.memref_slice %arg5[%mul3A_2, %dma_wait3A_19] : memref<2048x128xf32, #tpu.memory_space<hbm>> -> memref<128x128xf32, #tpu.memory_space<hbm>>
      tpu.wait_dma2 semaphore(%run_scoped3A : memref<!tpu.dma_semaphore, #tpu.memory_space<semaphore_mem>>) src(%arg7 : memref<128x128xf32, #tpu.memory_space<vmem>>) dst(%dma_wait3A_20 : memref<128x128xf32, #tpu.memory_space<hbm>>)
      tpu.yield
    }) : () -> ()
    return
  }
}

module attributes {stable_mosaic.version = 14 : i64} {
  func.func @_dense_body(%arg0: memref<1024x128xf32, #tpu.memory_space<vmem>>, %arg1: memref<2048x128xf32, #tpu.memory_space<vmem>>, %arg2: memref<1024xf32, #tpu.memory_space<vmem>>) attributes {dimension_semantics = [], scalar_prefetch = 0 : i64, scratch_operands = 0 : i64, tpu.core_type = #tpu.core_type<tc>} {
    %get3A = arith.constant 0 : index
    %get3A_0 = arith.constant 0 : index
    %get3A_1 = vector.load %arg0[%get3A, %get3A_0] : memref<1024x128xf32, #tpu.memory_space<vmem>>, vector<1024x128xf32>
    %get3A_2 = arith.constant 0 : index
    %get3A_3 = arith.constant 0 : index
    %get3A_4 = vector.load %arg1[%get3A_2, %get3A_3] : memref<2048x128xf32, #tpu.memory_space<vmem>>, vector<1024x128xf32>
    %get3A_5 = arith.constant 1024 : index
    %get3A_6 = arith.constant 0 : index
    %get3A_7 = vector.load %arg1[%get3A_5, %get3A_6] : memref<2048x128xf32, #tpu.memory_space<vmem>>, vector<1024x128xf32>
    %mul3A = arith.constant 1.44269502 : f32
    %mul3A_8 = vector.broadcast %mul3A : f32 to vector<1024x128xf32>
    %mul3A_9 = arith.mulf %get3A_1, %mul3A_8 : vector<1024x128xf32>
    %mul3A_10 = arith.constant 1.44269502 : f32
    %mul3A_11 = vector.broadcast %mul3A_10 : f32 to vector<1024x128xf32>
    %mul3A_12 = arith.mulf %get3A_7, %mul3A_11 : vector<1024x128xf32>
    %mul3A_13 = arith.mulf %mul3A_9, %mul3A_9 : vector<1024x128xf32>
    %broadcast_in_dim3A = arith.constant 1.000000e+00 : f32
    %broadcast_in_dim3A_14 = vector.broadcast %broadcast_in_dim3A : f32 to vector<128x1xf32>
    %dot_general3A = arith.constant dense<0.000000e+00> : vector<1024x1xf32>
    %dot_general3A_15 = tpu.matmul %mul3A_13, %broadcast_in_dim3A_14, %dot_general3A {dimension_numbers = #tpu.dot_dimension_numbers<[1], [0], [0], [1], [0, 0, 1, 1], [], []>, transpose_lhs_hint = false} : vector<1024x128xf32>, vector<128x1xf32>, vector<1024x1xf32> -> vector<1024x1xf32>
    %mul3A_16 = arith.mulf %mul3A_12, %mul3A_12 : vector<1024x128xf32>
    %broadcast_in_dim3A_17 = arith.constant 1.000000e+00 : f32
    %broadcast_in_dim3A_18 = vector.broadcast %broadcast_in_dim3A_17 : f32 to vector<128x1xf32>
    %dot_general3A_19 = arith.constant dense<0.000000e+00> : vector<1024x1xf32>
    %dot_general3A_20 = tpu.matmul %mul3A_16, %broadcast_in_dim3A_18, %dot_general3A_19 {dimension_numbers = #tpu.dot_dimension_numbers<[1], [0], [0], [1], [0, 0, 1, 1], [], []>, transpose_lhs_hint = false} : vector<1024x128xf32>, vector<128x1xf32>, vector<1024x1xf32> -> vector<1024x1xf32>
    %mul3A_21 = arith.constant -2.000000e+00 : f32
    %mul3A_22 = vector.broadcast %mul3A_21 : f32 to vector<1024x128xf32>
    %mul3A_23 = arith.mulf %mul3A_12, %mul3A_22 : vector<1024x128xf32>
    %dot_general3A_24 = arith.constant dense<0.000000e+00> : vector<1024x1024xf32>
    %dot_general3A_25 = tpu.matmul %mul3A_9, %mul3A_23, %dot_general3A_24 {dimension_numbers = #tpu.dot_dimension_numbers<[1], [1], [0], [0], [0, 0, 1, 0], [], []>, transpose_lhs_hint = false} : vector<1024x128xf32>, vector<1024x128xf32>, vector<1024x1024xf32> -> vector<1024x1024xf32>
    %add3A = vector.broadcast %dot_general3A_15 : vector<1024x1xf32> to vector<1024x1024xf32>
    %add3A_26 = arith.addf %add3A, %dot_general3A_25 : vector<1024x1024xf32>
    %transpose3A = tpu.transpose %dot_general3A_20, [1, 0] : vector<1024x1xf32> -> vector<1x1024xf32>
    %add3A_27 = vector.broadcast %transpose3A : vector<1x1024xf32> to vector<1024x1024xf32>
    %add3A_28 = arith.addf %add3A_26, %add3A_27 : vector<1024x1024xf32>
    %max3A = arith.constant 0.000000e+00 : f32
    %max3A_29 = vector.broadcast %max3A : f32 to vector<1024x1024xf32>
    %max3A_30 = arith.maximumf %add3A_28, %max3A_29 : vector<1024x1024xf32>
    %add3A_31 = arith.constant 1.000000e-30 : f32
    %add3A_32 = vector.broadcast %add3A_31 : f32 to vector<1024x1024xf32>
    %add3A_33 = arith.addf %max3A_30, %add3A_32 : vector<1024x1024xf32>
    %rsqrt3A = math.rsqrt %add3A_33 : vector<1024x1024xf32>
    %mul3A_34 = arith.mulf %max3A_30, %rsqrt3A : vector<1024x1024xf32>
    %exp23A = math.exp2 %mul3A_34 : vector<1024x1024xf32>
    %broadcast_in_dim3A_35 = arith.constant 1.000000e+00 : f32
    %broadcast_in_dim3A_36 = vector.broadcast %broadcast_in_dim3A_35 : f32 to vector<1024x1xf32>
    %dot_general3A_37 = arith.constant dense<0.000000e+00> : vector<1024x1xf32>
    %dot_general3A_38 = tpu.matmul %exp23A, %broadcast_in_dim3A_36, %dot_general3A_37 {dimension_numbers = #tpu.dot_dimension_numbers<[1], [0], [0], [1], [0, 0, 1, 1], [], []>, transpose_lhs_hint = false} : vector<1024x1024xf32>, vector<1024x1xf32>, vector<1024x1xf32> -> vector<1024x1xf32>
    %sub3A = arith.subf %get3A_1, %get3A_4 : vector<1024x128xf32>
    %mul3A_39 = arith.mulf %sub3A, %sub3A : vector<1024x128xf32>
    %broadcast_in_dim3A_40 = arith.constant 1.000000e+00 : f32
    %broadcast_in_dim3A_41 = vector.broadcast %broadcast_in_dim3A_40 : f32 to vector<128x1xf32>
    %dot_general3A_42 = arith.constant dense<0.000000e+00> : vector<1024x1xf32>
    %dot_general3A_43 = tpu.matmul %mul3A_39, %broadcast_in_dim3A_41, %dot_general3A_42 {dimension_numbers = #tpu.dot_dimension_numbers<[1], [0], [0], [1], [0, 0, 1, 1], [], []>, transpose_lhs_hint = false} : vector<1024x128xf32>, vector<128x1xf32>, vector<1024x1xf32> -> vector<1024x1xf32>
    %sqrt3A = math.sqrt %dot_general3A_43 : vector<1024x1xf32>
    %log3A = math.log %dot_general3A_38 : vector<1024x1xf32>
    %sub3A_44 = arith.subf %sqrt3A, %log3A : vector<1024x1xf32>
    %squeeze3A = vector.shape_cast %sub3A_44 : vector<1024x1xf32> to vector<1024xf32>
    %swap3A = arith.constant 0 : index
    %swap3A_45 = vector.load %arg2[%swap3A] : memref<1024xf32, #tpu.memory_space<vmem>>, vector<1024xf32>
    tpu.vector_store %arg2[%swap3A], %squeeze3A {strides = array<i32>} : memref<1024xf32, #tpu.memory_space<vmem>>, vector<1024xf32>,
    return
  }
}

</mosaic_0001>

<sc_bundles>
// kernel: kernel.4.cloned.1.call-start
scs
__scs_entry_jumppad:
0x0: {  	(pc) =	sbr.rel $0x88, $3  }
0x1: {  	(tag) =	ssettag $0x0;
	lr =	simm.s32 $0x1  }
0x2: {  	[smem:$0x3F9D] =	sst lr;
	_ =	strace $0xD0000000  }
0x3: {  	_ = 	snop  }
0x4: {  	_ = 	snop  }
0x5: {  	_ = 	snop  }
0x6: {  	_ = 	snop  }
0x7: {  	_ = 	snop  }
__scs_overlays_trampoline_lowered:
0x8: {  	[smem:$0x3FAC] =	sst s0  }
0x9: {  	[smem:$0x3FAD] =	sst s1  }
0xa: {  	[smem:$0x3FAE] =	sst s2  }
0xb: {  	[smem:$0x3FAF] =	sst s3  }
0xc: {  	[smem:$0x3FB0] =	sst s4  }
0xd: {  	[smem:$0x3FB1] =	sst s5  }
0xe: {  	[smem:$0x3FB2] =	sst s6  }
0xf: {  	[smem:$0x3FB3] =	sst s7  }
0x10: {  	[smem:$0x3FB4] =	sst s8  }
0x11: {  	[smem:$0x3FB5] =	sst s9;
	s0 =	simm.s32 @!p0 $0x0  }
0x12: {  	s1 =	sld [smem:$0x3F9B];
	s0 =	simm.s32 @p0 $0x1  }
0x13: {  	[smem:$0x3FB6] =	sst s0;
	s0 =	simm.s32 @!p1 $0x0  }
0x14: {  	s2 =	sld [smem:$0x3F9A];
	s0 =	simm.s32 @p1 $0x1  }
0x15: {  	[smem:$0x3FB7] =	sst s0;
	s0 =	simm.s32 @!p2 $0x0  }
0x16: {  	s3 =	sld [smem:$0x3FDB];
	s0 =	simm.s32 @p2 $0x1  }
0x17: {  	s4 =	simm.s32 $0x1BF5;
	[smem:$0x3FB9] =	sst s0  }
0x18: {  	s0 =	sld [smem:$0x3F9C];
	_ =	swait.ge [sflag:s4], $0x0  }
0x19: {  	s7 =	sld [smem:$0x3F9D]  }
0x1a: {  	s8 =	sadd.s32 $0xFFFFE003, lr  }
0x1b: {  	s9 =	sadd.s32 $0xFFFFFEF7, lr;
	s5 =	simm.s32 $0xFFFFFFFF;
	p2 =	slt.u32 s8, $0xFFFFF086  }
0x1c: {  	p1 =	slt.u32 s9, $0xF7A;
	s5 =	simm.s32 @!p2 $0x0  }
0x1d: {  	s5 =	simm.s32 @p1 $0x1;
	p0 =	seq.s32 s7, s2  }
0x1e: {  	s7 =	smul.u32 @!p0 $0xF7A, s2;
	p2 =	seq.s32 @!p0 s5, $0x0  }
0x1f: {  	s9 =	smul.u32 $0xF7A, s1;
	s8 =	simm.s32 @!p0 $0x1BF5;
	p2 =	por !p2, p0  }
0x20: {  	[sflag:s8] =	ssyncset.s32 @!p0 $0xFFFFF086;
	s6 =	sadd.s32 @!p0 s3, s7;
	s7 =	simm.s32 @!p0 $0x108  }
0x21: {  	s3 =	sadd.s32 s3, s9;
	s6 =	sadd.s32 @!p0 $0x88, s6;
	s7 =	simm.s32 @p2 $0x1082  }
0x22: {  	[simem:s7], [sflag:s8] =	dma.local @!p0 [hbm:s6], $0xF7A  }
0x23: {  	s9 =	sor.u32 $0xD0000000, s2;
	s6 =	simm.s32 $0x108;
	_ =	swait.ge @!p0 [sflag:s8], $0x0  }
0x24: {  	s3 =	sadd.s32 $0x88, s3;
	s6 =	simm.s32 @!p1 $0x1082;
	[sflag:s4] =	ssyncset.s32 $0xFFFFF086  }
0x25: {  	[simem:s6], [sflag:s4] =	dma.local [hbm:s3], $0xF7A  }
0x26: {  	[smem:$0x3F9D] =	sst s1;
	(tag) =	ssettag s2;
	_ =	strace s9  }
0x27: {  	s1 =	sld [smem:$0x3FAD]  }
0x28: {  	s2 =	sld [smem:$0x3FAE]  }
0x29: {  	s4 =	sld [smem:$0x3FB0]  }
0x2a: {  	p0 =	seq.s32 s5, $0x0;
	s5 =	sld [smem:$0x3FB1]  }
0x2b: {  	s6 =	sld [smem:$0x3FB2]  }
0x2c: {  	s7 =	sld [smem:$0x3FB3]  }
0x2d: {  	s3 =	simm.s32 $0x108;
	s8 =	sld [smem:$0x3FB4]  }
0x2e: {  	s3 =	simm.s32 @!p0 $0x1082;
	s9 =	sld [smem:$0x3FB5]  }
0x2f: {  	lr =	sadd.s32 s0, s3;
	s0 =	sld [smem:$0x3FAC]  }
0x30: {  	s3 =	sld [smem:$0x3FAF]  }
0x31: {  	[smem:$0x3FB8] =	sst s10  }
0x32: {  	s10 =	sld [smem:$0x3FB6];
	_ =	sdelay $0x3  }
0x33: {  	p0 =	seq.s32 s10, $0x1;
	s10 =	sld [smem:$0x3FB8];
	_ =	sdelay $0x3  }
0x34: {  	[smem:$0x3FB8] =	sst s10  }
0x35: {  	s10 =	sld [smem:$0x3FB7];
	_ =	sdelay $0x3  }
0x36: {  	p1 =	seq.s32 s10, $0x1;
	s10 =	sld [smem:$0x3FB8];
	_ =	sdelay $0x3  }
0x37: {  	[smem:$0x3FB8] =	sst s10  }
0x38: {  	s10 =	sld [smem:$0x3FB9]  }
0x39: {  	_ = 	snop;
	(pc) =	sbr.ind lr, $3  }
0x3a: {  	_ = 	snop  }
0x3b: {  	_ = 	snop  }
0x3c: {  	p2 =	seq.s32 s10, $0x1;
	s10 =	sld [smem:$0x3FB8]  }
0x3d: {  	_ =	shalt  }
0x3e: {  	_ =	shalt  }
0x3f: {  	_ =	shalt  }
0x40: {  	_ =	shalt  }
0x41: {  	_ =	shalt  }
0x42: {  	_ =	shalt  }
0x43: {  	_ =	shalt  }
0x44: {  	_ =	shalt  }
0x45: {  	_ =	shalt  }
0x46: {  	_ =	shalt  }
0x47: {  	_ =	shalt  }
0x48: {  	_ =	shalt  }
0x49: {  	_ =	shalt  }
0x4a: {  	_ =	shalt  }
0x4b: {  	_ =	shalt  }
0x4c: {  	_ =	shalt  }
0x4d: {  	_ =	shalt  }
0x4e: {  	_ =	shalt  }
0x4f: {  	_ =	shalt  }
0x50: {  	_ =	shalt  }
0x51: {  	_ =	shalt  }
0x52: {  	_ =	shalt  }
0x53: {  	_ =	shalt  }
0x54: {  	_ =	shalt  }
0x55: {  	_ =	shalt  }
0x56: {  	_ =	shalt  }
0x57: {  	_ =	shalt  }
0x58: {  	_ =	shalt  }
0x59: {  	_ =	shalt  }
0x5a: {  	_ =	shalt  }
0x5b: {  	_ =	shalt  }
0x5c: {  	_ =	shalt  }
0x5d: {  	_ =	shalt  }
0x5e: {  	_ =	shalt  }
0x5f: {  	_ =	shalt  }
0x60: {  	_ =	shalt  }
0x61: {  	_ =	shalt  }
0x62: {  	_ =	shalt  }
0x63: {  	_ =	shalt  }
0x64: {  	_ =	shalt  }
0x65: {  	_ =	shalt  }
0x66: {  	_ =	shalt  }
0x67: {  	_ =	shalt  }
0x68: {  	_ =	shalt  }
0x69: {  	_ =	shalt  }
0x6a: {  	_ =	shalt  }
0x6b: {  	_ =	shalt  }
0x6c: {  	_ =	shalt  }
0x6d: {  	_ =	shalt  }
0x6e: {  	_ =	shalt  }
0x6f: {  	_ =	shalt  }
0x70: {  	_ =	shalt  }
0x71: {  	_ =	shalt  }
0x72: {  	_ =	shalt  }
0x73: {  	_ =	shalt  }
0x74: {  	_ =	shalt  }
0x75: {  	_ =	shalt  }
0x76: {  	_ =	shalt  }
0x77: {  	_ =	shalt  }
0x78: {  	_ =	shalt  }
0x79: {  	_ =	shalt  }
0x7a: {  	_ =	shalt  }
0x7b: {  	_ =	shalt  }
0x7c: {  	_ =	shalt  }
0x7d: {  	_ =	shalt  }
0x7e: {  	_ =	shalt  }
0x7f: {  	_ =	shalt  }
0x80: {  	_ =	shalt  }
0x81: {  	_ =	shalt  }
0x82: {  	_ =	shalt  }
0x83: {  	_ =	shalt  }
0x84: {  	_ =	shalt  }
0x85: {  	_ =	shalt  }
0x86: {  	_ =	shalt  }
0x87: {  	_ =	shalt  }
.Lfunc_end0:
.L_simem_size_0:
called_computation_lowered:
.L_overlay_start_0:
0x88: {  	s0 =	sld [smem:$0x3FD9]  }
0x89: {  	s1 =	sld [smem:$0x3FFE];
	_ =	sdelay $0x3  }
0x8a: {  	s0 =	sadd.s32 s1, s0  }
0x8b: {  	[smem:$0x3FC4] =	sst s0  }
0x8c: {  	_ = 	snop  }
0x8d: {  	s0 =	sld [smem:$0x3FC8]  }
0x8e: {  	s16 =	sld [smem:$0x3FC7]  }
0x8f: {  	s2 =	sld [smem:$0x3FC6];
	(tm) =	ssettm $0x1  }
0x90: {  	s3 =	sld [smem:$0x3FFB];
	_ =	sdelay $0x3  }
0x91: {  	_ =	strace s3  }
0x92: {  	s3 =	sld [smem:$0x3FFC];
	_ =	sdelay $0x3  }
0x93: {  	_ =	strace s3  }
0x94: {  	s3 =	sld [smem:$0x3FFD];
	_ =	sdelay $0x3  }
0x95: {  	_ =	strace s3  }
0x96: {  	_ =	strace $0x8FFFFFFF  }
0x97: {  	s17 =	sld [smem:$0x3FDB];
	_ =	sdelay $0x1  }
0x98: {  	s4 =	simm.s32 $_scs_section_size  }
0x99: {  	s5 =	simm.s32 $_size__tile_overlayer_lowered;
	s6 =	simm.s32 $_tile_overlayer_lowered  }
0x9a: {  	s20 =	simm.s32 $0x1BFF;
	s19 =	sshll.u32 s6, $0x1;
	s3 =	sadd.s32 s4, s17  }
0x9b: {  	s7 =	simm.s32 $0x0;
	s18 =	sshll.u32 s5, $0x1;
	s5 =	sadd.s32 s19, s3  }
0x9c: {  	[timem:s7], [sflag:s20] =	dma.local [hbm:s5], s18  }
0x9d: {  	_ =	swait.ge [sflag:s20], s18  }
0x9e: {  	s4 =	ssub.s32 $0x0, s18;
	[sflag:s20] =	ssyncset.done $0x0  }
0x9f: {  	[sflag:s20] =	ssyncadd.s32 s4;
	_ =	sdelay $0x1  }
0xa0: {  	s21 =	simm.s32 $0x1B8B  }
0xa1: {  	_ =	swait.ge [sflag:s21], $0x1  }
0xa2: {  	[sflag:s21] =	ssyncset.done $0x0  }
0xa3: {  	s23 =	simm.s32 $0x1B8E;
	s22 =	sld [smem:$0x3FFE];
	[sflag:s21] =	ssyncadd.s32 $0xFFFFFFFF  }
0xa4: {  	s24 =	simm.s32 $execute0_lowered;
	[smem:$0x3FD2] =	sst s23  }
0xa5: {  	s5 =	sshll.u32 s24, $0x1;
	_ =	strace $0x80000046;
	[dreg:$0x1] =	wrdreg $0xFFFFFFFF  }
0xa6: {  	s25 =	simm.s32 $_size_execute0_lowered;
	s3 =	sadd.s32 s3, s5;
	[dreg:$0x0] =	wrdreg $0x0  }
0xa7: {  	s5 =	sshll.u32 s25, $0x1;
	[dreg:$0x2] =	wrdreg s3  }
0xa8: {  	[dreg:$0x3] =	wrdreg s5  }
0xa9: {  	[dreg:$0x4] =	wrdreg $0xC0  }
0xaa: {  	_ =	task [dreg:s7], $0x5FFFF  }
0xab: {  	[dreg:$0x1] =	wrdreg $0xFFFFFFFF  }
0xac: {  	[dreg:$0x0] =	wrdreg $0x60  }
0xad: {  	[dreg:$0x2] =	wrdreg s2  }
0xae: {  	[dreg:$0x3] =	wrdreg s0  }
0xaf: {  	[dreg:$0x4] =	wrdreg s16  }
0xb0: {  	[dreg:$0x5] =	wrdreg s22  }
0xb1: {  	[dreg:$0x6] =	wrdreg $0x9  }
0xb2: {  	_ =	task.clear_ibuf [dreg:s7], $0x7FFFF;
	_ =	strace $0x90000046  }
0xb3: {  	s26 =	simm.s32 $0x9;
	_ =	strace $0x80000048  }
0xb4: {  	_ =	swait.ge [sflag:s26], $0x1  }
0xb5: {  	[sflag:s26] =	ssyncadd.s32 $0xFFFFFFFF  }
0xb6: {  	_ =	strace $0x90000048  }
0xb7: {  	_ =	sfence  }
0xb8: {  	s28 =	sld [smem:$0x0];
	_ =	sdelay $0x1  }
0xb9: {  	s29 =	srdreg.scid  }
0xba: {  	s30 =	sshll.u32 s29, $0xD;
	s31 =	sshrl.u32 s29, $0x2  }
0xbb: {  	s1 =	sand.u32 $0x1, s29;
	s2 =	sand.u32 $0x4000, s30;
	s0 =	sadd.s32 s31, s28  }
0xbc: {  	s1 =	sor.u32 s2, s1;
	s0 =	sshll.u32 s0, $0x11  }
0xbd: {  	s0 =	sor.u32 s0, s1  }
0xbe: {  	s0 =	sadd.s32 $0x8F2B, s0  }
0xbf: {  	[sflag:s0] =	ssyncadd.remote.s32 $0x1  }
0xc0: {  	_ =	sfence.sel $0xFFFF  }
0xc1: {  	[dreg:$0x0] =	wrdreg $0xFFFFFFFF;
	(pc) =	sbr.abs _section_cstart, $3  }
0xc2: {  	[dreg:$0x1] =	wrdreg $0xFFFFFFFF  }
0xc3: {  	_ =	task.clear_ibuf [dreg:s7], $0x2FFFF;
	_ =	strace $0x9FFFFFFF  }
0xc4: {  	(tm) =	ssettm $0x7FFFFFFF  }
0xc5: {  	_ =	shalt  }
tec
execute0_lowered:
.L_overlay_start_1:
0x0: {  	(tag) =	ssettag $0x1  }
0x1: {  	s0 =	rddreg [dreg:$0x0]  }
0x2: {  	s1 =	rddreg [dreg:$0x1];
	s2 =	stileid.u32  }
0x3: {  	s3 =	rddreg [dreg:$0x2];
	p0 =	sgt.u32 s2, $0x7  }
0x4: {  	s4 =	rddreg [dreg:$0x3];
	s5 =	sshll.u32 @p0 s2, $0x7  }
0x5: {  	s6 =	rddreg [dreg:$0x4];
	s5 =	sadd.s32 @p0 $0xFFFFFC00, s5  }
0x6: {  	s7 =	simm.s32 $0x0;
	s8 =	sshll.u32 @!p0 s2, $0x4;
	s5 =	sshrl.u32 @p0 s5, $0x3  }
0x7: {  	[smem:$0x7FF] =	sst s7;
	s1 =	sadd.s32 @!p0 s1, s8;
	s3 =	sadd.s32 @p0 s3, s5  }
0x8: {  	s28 =	simm.s32 $0x2;
	_ =	strace $0x80000047;
	s1 =	smov.u32 @p0 s3  }
0x9: {  	[tilespmem:s7], [sflag:$0x2] =	stream.linear.gather [hbm4b:s1+s7], $0x80, $0x38;
	[tilespmem:$0x4080] =	vst v63  }
0xa: {  	_ =	swait.ge [sflag:s28], $0x80  }
0xb: {  	[sflag:s28] =	ssyncset.done $0x0  }
0xc: {  	s29 =	simm.s32 $0x80;
	s30 =	simm.s32 $0x1;
	[sflag:s28] =	ssyncadd.s32 $0xFFFFFF80  }
0xd: {  	[tilespmem:s29], [sflag:$0x1] =	stream.indirect.gather [hbm4b:s0+s29], $0x80, s7, s29, $0xb8;
	[tilespmem:$0x4080] =	vst v63  }
0xe: {  	s31 =	sshll.u32 s2, $0xB;
	_ =	swait.ge [sflag:s30], $0x4000  }
0xf: {  	s4 =	sadd.s32 s31, s4;
	[sflag:s30] =	ssyncset.done $0x0  }
0x10: {  	s4 =	sadd.s32 $0x800, s4;
	[sflag:s30] =	ssyncadd.s32 $0xFFFFC000  }
0x11: {  	[hbm4b:s4+s7] =	stream.linear.scatter [tilespmem:s29], [sflag:$0x2], $0x4000, $0x38;
	[tilespmem:$0x4080] =	vst v63  }
0x12: {  	_ =	swait.ge [sflag:s28], $0x4000  }
0x13: {  	[sflag:s28] =	ssyncset.done $0x0  }
0x14: {  	[sflag:s28] =	ssyncadd.s32 $0xFFFFC000  }
0x15: {  	_ =	sfence.sel $0x180000  }
0x16: {  	[bflag:$0x0] =	sbarrier.arrive $0xFFFF  }
0x17: {  	p0 =	sne.s32 s2, $0x0;
	_ =	strace $0x90000047  }
0x18: {  	s0 =	sadd.s32 @!p0 $0x100000, s6;
	[bflag:$0x2] =	sbarrier.arrive $0xFFFF  }
0x19: {  	[sflag:s0] =	ssyncadd.tile.s32 @!p0 $0x1;
	_ =	shalt  }
.Lfunc_end2:
_tile_overlayer_lowered:
.L_overlay_start_2:
0x1a: {  	(tag) =	ssettag $0x2  }
0x1b: {  	s0 =	rddreg [dreg:$0x0];
	s2 =	stileid.u32  }
0x1c: {  	s1 =	rddreg [dreg:$0x1];
	p0 =	sne.s32 s2, $0x0  }
0x1d: {  	s3 =	rddreg [dreg:$0x2];
	[bflag:$0x3] =	sbarrier.arrive $0xFFFF;
	s2 =	simm.s32 @!p0 $0x1C02  }
0x1e: {  	[timem:s3], [sflag:s2] =	dma.local @!p0 [hbm:s0], s1  }
0x1f: {  	s0 =	simm.s32 @!p0 $0x2  }
0x20: {  	_ =	swait.ge @!p0 [sflag:s0], s1  }
0x21: {  	s1 =	ssub.s32 @!p0 $0x0, s1;
	[sflag:s0] =	ssyncset.done @!p0 $0x0  }
0x22: {  	[sflag:s0] =	ssyncadd.s32 @!p0 s1  }
0x23: {  	[bflag:$0x3] =	sbarrier.arrive $0xFFFF  }
0x24: {  	_ =	shalt  }

</sc_bundles>
